<compile_context>
chip_gen: v7x
topology: tpu7x:2x2x1
jax: 0.10.2.dev20260603
libtpu: 0.0.44.dev20260713+nightly
codegen_flags: <defaults>
</compile_context>

<pallas_src>
import jax
import jax.numpy as jnp
from jax import lax
from jax.experimental import pallas as pl
from jax.experimental.pallas import tpu as pltpu
from jax.experimental.pallas import tpu_sc as plsc

B = 128
V = 100000
BSV = 10000
NBV = V // BSV
BIG = 2**30

NC = 2
NS = 16
NW = NC * NS
L = 16
RPW = B // NW


def _tc_shard_argmax(xt_ref, v_ref, i_ref):
    b = pl.program_id(0)
    xb = xt_ref[...]
    m = jnp.max(xb, axis=0, keepdims=True)
    iota = lax.broadcasted_iota(jnp.int32, (BSV, B), 0)
    cand = jnp.where(xb == m, iota, BIG)
    idx = jnp.min(cand, axis=0, keepdims=True) + b * BSV
    v_ref[...] = m.reshape(1, 1, B)
    i_ref[...] = idx.reshape(1, 1, B)


def _sc_merge(v_hbm, i_hbm, out_hbm, vv, ii, res, sem):
    wid = lax.axis_index("s") * NC + lax.axis_index("c")

    pltpu.make_async_copy(v_hbm, vv, sem).start()
    pltpu.make_async_copy(v_hbm, vv, sem).wait()
    pltpu.make_async_copy(i_hbm, ii, sem).start()
    pltpu.make_async_copy(i_hbm, ii, sem).wait()

    lane = lax.iota(jnp.int32, L)
    shard = jnp.minimum(lane, NBV - 1)
    acc = jnp.zeros((L,), jnp.int32)
    for j in range(RPW):
        row = wid * RPW + j
        gidx = shard * B + row
        va = plsc.load_gather(vv, [gidx])
        m = lax.reduce_max(va, axes=(0,))
        ja = plsc.load_gather(ii, [gidx])
        cand = jnp.where(va == m, ja, BIG)
        r = lax.reduce_min(cand, axes=(0,))
        acc = jnp.where(lane == j, r, acc)
    res[...] = acc
    pltpu.sync_copy(res, out_hbm.at[wid])


@jax.jit
def kernel(x):
    xt = jnp.swapaxes(x, 0, 1)
    v2, i2 = pl.pallas_call(
        _tc_shard_argmax,
        grid=(NBV,),
        in_specs=[pl.BlockSpec((BSV, B), lambda b: (b, 0))],
        out_specs=[
            pl.BlockSpec((1, 1, B), lambda b: (b, 0, 0)),
            pl.BlockSpec((1, 1, B), lambda b: (b, 0, 0)),
        ],
        out_shape=[
            jax.ShapeDtypeStruct((NBV, 1, B), jnp.float32),
            jax.ShapeDtypeStruct((NBV, 1, B), jnp.int32),
        ],
    )(xt)

    v1 = v2.reshape(NBV * B)
    i1 = i2.reshape(NBV * B)
    mesh = plsc.VectorSubcoreMesh(core_axis_name="c", subcore_axis_name="s")
    out = pl.kernel(
        _sc_merge,
        out_type=jax.ShapeDtypeStruct((NW, L), jnp.int32),
        mesh=mesh,
        scratch_types=[
            pltpu.VMEM((NBV * B,), jnp.float32),
            pltpu.VMEM((NBV * B,), jnp.int32),
            pltpu.VMEM((L,), jnp.int32),
            pltpu.SemaphoreType.DMA,
        ],
        compiler_params=pltpu.CompilerParams(needs_layout_passes=False),
    )(v1, i1)
    return out[:, :RPW].reshape(B).astype(jnp.int64)

# --- scband reference (transcript-rebuilt; emitter-appended) ---
"""Pipeline reference for scband-sampling-layer-40295383171284 (READ-ONLY COPY).

The authoritative reference and input builder live on the scoring server;
editing this copy changes nothing except your own understanding.
"""

import jax, jax.numpy as jnp
import numpy as np


def setup_inputs(seed: int = 0) -> dict:
    key = jax.random.key(seed)
    x = jax.random.uniform(key, (128, 100000), dtype=jnp.float32)
    return {"x": x}


def reference(x):
    # SamplingLayer with use_argmax=True: tf.argmax(x, 1) -> int64 indices of shape [B]
    return jnp.argmax(x, axis=1).astype(jnp.int64)

if __name__ == "__main__":
    import jax
    _d = setup_inputs()
    print(jax.jit(kernel)(*tuple(_d.values())))

</pallas_src>

<mosaic_0001>
#map = affine_map<(d0, d1) -> (0)>
#map1 = affine_map<(d0, d1) -> (0, 0)>
module attributes {stable_mosaic.version = 14 : i64} {
  func.func @_sc_merge(%arg0: i32, %arg1: i32, %arg2: memref<1280xf32, #tpu.memory_space<hbm>>, %arg3: memref<1280xi32, #tpu.memory_space<hbm>>, %arg4: memref<32x16xi32, #tpu.memory_space<hbm>>, %arg5: memref<1280xf32, #tpu.memory_space<vmem>>, %arg6: memref<1280xi32, #tpu.memory_space<vmem>>, %arg7: memref<16xi32, #tpu.memory_space<vmem>>, %arg8: memref<!tpu.dma_semaphore, #tpu.memory_space<semaphore_mem>>) attributes {dimension_semantics = [#tpu.dimension_semantics<core_parallel>, #tpu.dimension_semantics<subcore_parallel>], iteration_bounds = array<i64: 2, 16>, scalar_prefetch = 0 : i64, scratch_operands = 4 : i64, tpu.core_type = #tpu.core_type<sc_vector_subcore>, window_params = [{transform_indices = #map}, {transform_indices = #map}, {transform_indices = #map1}]} {
    %mul3A = arith.constant 2 : i32
    %mul3A_0 = arith.muli %arg1, %mul3A : i32
    %add3A = arith.addi %mul3A_0, %arg0 : i32
    tpu.enqueue_dma source(%arg2 : memref<1280xf32, #tpu.memory_space<hbm>>) target(%arg5 : memref<1280xf32, #tpu.memory_space<vmem>>) target_semaphore(%arg8 : memref<!tpu.dma_semaphore, #tpu.memory_space<semaphore_mem>>)
    tpu.wait_dma2 semaphore(%arg8 : memref<!tpu.dma_semaphore, #tpu.memory_space<semaphore_mem>>) src(%arg2 : memref<1280xf32, #tpu.memory_space<hbm>>) dst(%arg5 : memref<1280xf32, #tpu.memory_space<vmem>>)
    tpu.enqueue_dma source(%arg3 : memref<1280xi32, #tpu.memory_space<hbm>>) target(%arg6 : memref<1280xi32, #tpu.memory_space<vmem>>) target_semaphore(%arg8 : memref<!tpu.dma_semaphore, #tpu.memory_space<semaphore_mem>>)
    tpu.wait_dma2 semaphore(%arg8 : memref<!tpu.dma_semaphore, #tpu.memory_space<semaphore_mem>>) src(%arg3 : memref<1280xi32, #tpu.memory_space<hbm>>) dst(%arg6 : memref<1280xi32, #tpu.memory_space<vmem>>)
    %iota3A = tpu.iota {dimensions = array<i32: 0>} : vector<16xi32>
    %min3A = arith.constant 9 : i32
    %min3A_1 = vector.broadcast %min3A : i32 to vector<16xi32>
    %min3A_2 = arith.minsi %iota3A, %min3A_1 : vector<16xi32>
    %broadcast_in_dim3A = arith.constant 0 : i32
    %broadcast_in_dim3A_3 = vector.broadcast %broadcast_in_dim3A : i32 to vector<16xi32>
    %mul3A_4 = arith.constant 4 : i32
    %mul3A_5 = arith.muli %add3A, %mul3A_4 : i32
    %add3A_6 = arith.constant 0 : i32
    %add3A_7 = arith.addi %mul3A_5, %add3A_6 : i32
    %mul3A_8 = arith.constant 128 : i32
    %mul3A_9 = vector.broadcast %mul3A_8 : i32 to vector<16xi32>
    %mul3A_10 = arith.muli %min3A_2, %mul3A_9 : vector<16xi32>
    %add3A_11 = vector.broadcast %add3A_7 : i32 to vector<16xi32>
    %add3A_12 = arith.addi %mul3A_10, %add3A_11 : vector<16xi32>
    %gather3A = tpu.vector_load_idx %arg5[%add3A_12] : memref<1280xf32, #tpu.memory_space<vmem>>[vector<16xi32>], vector<16xf32>,
    %reduce_max3A = arith.constant true
    %reduce_max3A_13 = vector.broadcast %reduce_max3A : i1 to vector<16xi1>
    %reduce_max3A_14 = tpu.scan <max>, %gather3A masked %reduce_max3A_13 : vector<16xf32>, vector<16xi1> -> vector<16xf32>
    %reduce_max3A_15 = vector.extract %reduce_max3A_14[15] : f32 from vector<16xf32>
    %gather3A_16 = tpu.vector_load_idx %arg6[%add3A_12] : memref<1280xi32, #tpu.memory_space<vmem>>[vector<16xi32>], vector<16xi32>,
    %eq3A = vector.broadcast %reduce_max3A_15 : f32 to vector<16xf32>
    %eq3A_17 = arith.cmpf oeq, %gather3A, %eq3A : vector<16xf32>
    %jit3A = arith.constant 1073741824 : i32
    %broadcast_in_dim3A_18 = vector.broadcast %jit3A : i32 to vector<16xi32>
    %select_n3A = arith.select %eq3A_17, %gather3A_16, %broadcast_in_dim3A_18 : vector<16xi1>, vector<16xi32>
    %reduce_min3A = arith.constant true
    %reduce_min3A_19 = vector.broadcast %reduce_min3A : i1 to vector<16xi1>
    %reduce_min3A_20 = arith.constant -2147483648 : i32
    %reduce_min3A_21 = vector.broadcast %reduce_min3A_20 : i32 to vector<16xi32>
    %reduce_min3A_22 = arith.xori %select_n3A, %reduce_min3A_21 : vector<16xi32>
    %reduce_min3A_23 = tpu.scan <min>, %reduce_min3A_22 masked %reduce_min3A_19 : vector<16xi32>, vector<16xi1> -> vector<16xi32>
    %reduce_min3A_24 = arith.xori %reduce_min3A_23, %reduce_min3A_21 : vector<16xi32>
    %reduce_min3A_25 = vector.extract %reduce_min3A_24[15] : i32 from vector<16xi32>
    %eq3A_26 = arith.constant 0 : i32
    %eq3A_27 = vector.broadcast %eq3A_26 : i32 to vector<16xi32>
    %eq3A_28 = arith.cmpi eq, %iota3A, %eq3A_27 : vector<16xi32>
    %broadcast_in_dim3A_29 = vector.broadcast %reduce_min3A_25 : i32 to vector<16xi32>
    %select_n3A_30 = arith.select %eq3A_28, %broadcast_in_dim3A_29, %broadcast_in_dim3A_3 : vector<16xi1>, vector<16xi32>
    %mul3A_31 = arith.constant 4 : i32
    %mul3A_32 = arith.muli %add3A, %mul3A_31 : i32
    %add3A_33 = arith.constant 1 : i32
    %add3A_34 = arith.addi %mul3A_32, %add3A_33 : i32
    %mul3A_35 = arith.constant 128 : i32
    %mul3A_36 = vector.broadcast %mul3A_35 : i32 to vector<16xi32>
    %mul3A_37 = arith.muli %min3A_2, %mul3A_36 : vector<16xi32>
    %add3A_38 = vector.broadcast %add3A_34 : i32 to vector<16xi32>
    %add3A_39 = arith.addi %mul3A_37, %add3A_38 : vector<16xi32>
    %gather3A_40 = tpu.vector_load_idx %arg5[%add3A_39] : memref<1280xf32, #tpu.memory_space<vmem>>[vector<16xi32>], vector<16xf32>,
    %reduce_max3A_41 = arith.constant true
    %reduce_max3A_42 = vector.broadcast %reduce_max3A_41 : i1 to vector<16xi1>
    %reduce_max3A_43 = tpu.scan <max>, %gather3A_40 masked %reduce_max3A_42 : vector<16xf32>, vector<16xi1> -> vector<16xf32>
    %reduce_max3A_44 = vector.extract %reduce_max3A_43[15] : f32 from vector<16xf32>
    %gather3A_45 = tpu.vector_load_idx %arg6[%add3A_39] : memref<1280xi32, #tpu.memory_space<vmem>>[vector<16xi32>], vector<16xi32>,
    %eq3A_46 = vector.broadcast %reduce_max3A_44 : f32 to vector<16xf32>
    %eq3A_47 = arith.cmpf oeq, %gather3A_40, %eq3A_46 : vector<16xf32>
    %jit3A_48 = arith.constant 1073741824 : i32
    %broadcast_in_dim3A_49 = vector.broadcast %jit3A_48 : i32 to vector<16xi32>
    %select_n3A_50 = arith.select %eq3A_47, %gather3A_45, %broadcast_in_dim3A_49 : vector<16xi1>, vector<16xi32>
    %reduce_min3A_51 = arith.constant true
    %reduce_min3A_52 = vector.broadcast %reduce_min3A_51 : i1 to vector<16xi1>
    %reduce_min3A_53 = arith.constant -2147483648 : i32
    %reduce_min3A_54 = vector.broadcast %reduce_min3A_53 : i32 to vector<16xi32>
    %reduce_min3A_55 = arith.xori %select_n3A_50, %reduce_min3A_54 : vector<16xi32>
    %reduce_min3A_56 = tpu.scan <min>, %reduce_min3A_55 masked %reduce_min3A_52 : vector<16xi32>, vector<16xi1> -> vector<16xi32>
    %reduce_min3A_57 = arith.xori %reduce_min3A_56, %reduce_min3A_54 : vector<16xi32>
    %reduce_min3A_58 = vector.extract %reduce_min3A_57[15] : i32 from vector<16xi32>
    %eq3A_59 = arith.constant 1 : i32
    %eq3A_60 = vector.broadcast %eq3A_59 : i32 to vector<16xi32>
    %eq3A_61 = arith.cmpi eq, %iota3A, %eq3A_60 : vector<16xi32>
    %broadcast_in_dim3A_62 = vector.broadcast %reduce_min3A_58 : i32 to vector<16xi32>
    %select_n3A_63 = arith.select %eq3A_61, %broadcast_in_dim3A_62, %select_n3A_30 : vector<16xi1>, vector<16xi32>
    %mul3A_64 = arith.constant 4 : i32
    %mul3A_65 = arith.muli %add3A, %mul3A_64 : i32
    %add3A_66 = arith.constant 2 : i32
    %add3A_67 = arith.addi %mul3A_65, %add3A_66 : i32
    %mul3A_68 = arith.constant 128 : i32
    %mul3A_69 = vector.broadcast %mul3A_68 : i32 to vector<16xi32>
    %mul3A_70 = arith.muli %min3A_2, %mul3A_69 : vector<16xi32>
    %add3A_71 = vector.broadcast %add3A_67 : i32 to vector<16xi32>
    %add3A_72 = arith.addi %mul3A_70, %add3A_71 : vector<16xi32>
    %gather3A_73 = tpu.vector_load_idx %arg5[%add3A_72] : memref<1280xf32, #tpu.memory_space<vmem>>[vector<16xi32>], vector<16xf32>,
    %reduce_max3A_74 = arith.constant true
    %reduce_max3A_75 = vector.broadcast %reduce_max3A_74 : i1 to vector<16xi1>
    %reduce_max3A_76 = tpu.scan <max>, %gather3A_73 masked %reduce_max3A_75 : vector<16xf32>, vector<16xi1> -> vector<16xf32>
    %reduce_max3A_77 = vector.extract %reduce_max3A_76[15] : f32 from vector<16xf32>
    %gather3A_78 = tpu.vector_load_idx %arg6[%add3A_72] : memref<1280xi32, #tpu.memory_space<vmem>>[vector<16xi32>], vector<16xi32>,
    %eq3A_79 = vector.broadcast %reduce_max3A_77 : f32 to vector<16xf32>
    %eq3A_80 = arith.cmpf oeq, %gather3A_73, %eq3A_79 : vector<16xf32>
    %jit3A_81 = arith.constant 1073741824 : i32
    %broadcast_in_dim3A_82 = vector.broadcast %jit3A_81 : i32 to vector<16xi32>
    %select_n3A_83 = arith.select %eq3A_80, %gather3A_78, %broadcast_in_dim3A_82 : vector<16xi1>, vector<16xi32>
    %reduce_min3A_84 = arith.constant true
    %reduce_min3A_85 = vector.broadcast %reduce_min3A_84 : i1 to vector<16xi1>
    %reduce_min3A_86 = arith.constant -2147483648 : i32
    %reduce_min3A_87 = vector.broadcast %reduce_min3A_86 : i32 to vector<16xi32>
    %reduce_min3A_88 = arith.xori %select_n3A_83, %reduce_min3A_87 : vector<16xi32>
    %reduce_min3A_89 = tpu.scan <min>, %reduce_min3A_88 masked %reduce_min3A_85 : vector<16xi32>, vector<16xi1> -> vector<16xi32>
    %reduce_min3A_90 = arith.xori %reduce_min3A_89, %reduce_min3A_87 : vector<16xi32>
    %reduce_min3A_91 = vector.extract %reduce_min3A_90[15] : i32 from vector<16xi32>
    %eq3A_92 = arith.constant 2 : i32
    %eq3A_93 = vector.broadcast %eq3A_92 : i32 to vector<16xi32>
    %eq3A_94 = arith.cmpi eq, %iota3A, %eq3A_93 : vector<16xi32>
    %broadcast_in_dim3A_95 = vector.broadcast %reduce_min3A_91 : i32 to vector<16xi32>
    %select_n3A_96 = arith.select %eq3A_94, %broadcast_in_dim3A_95, %select_n3A_63 : vector<16xi1>, vector<16xi32>
    %mul3A_97 = arith.constant 4 : i32
    %mul3A_98 = arith.muli %add3A, %mul3A_97 : i32
    %add3A_99 = arith.constant 3 : i32
    %add3A_100 = arith.addi %mul3A_98, %add3A_99 : i32
    %mul3A_101 = arith.constant 128 : i32
    %mul3A_102 = vector.broadcast %mul3A_101 : i32 to vector<16xi32>
    %mul3A_103 = arith.muli %min3A_2, %mul3A_102 : vector<16xi32>
    %add3A_104 = vector.broadcast %add3A_100 : i32 to vector<16xi32>
    %add3A_105 = arith.addi %mul3A_103, %add3A_104 : vector<16xi32>
    %gather3A_106 = tpu.vector_load_idx %arg5[%add3A_105] : memref<1280xf32, #tpu.memory_space<vmem>>[vector<16xi32>], vector<16xf32>,
    %reduce_max3A_107 = arith.constant true
    %reduce_max3A_108 = vector.broadcast %reduce_max3A_107 : i1 to vector<16xi1>
    %reduce_max3A_109 = tpu.scan <max>, %gather3A_106 masked %reduce_max3A_108 : vector<16xf32>, vector<16xi1> -> vector<16xf32>
    %reduce_max3A_110 = vector.extract %reduce_max3A_109[15] : f32 from vector<16xf32>
    %gather3A_111 = tpu.vector_load_idx %arg6[%add3A_105] : memref<1280xi32, #tpu.memory_space<vmem>>[vector<16xi32>], vector<16xi32>,
    %eq3A_112 = vector.broadcast %reduce_max3A_110 : f32 to vector<16xf32>
    %eq3A_113 = arith.cmpf oeq, %gather3A_106, %eq3A_112 : vector<16xf32>
    %jit3A_114 = arith.constant 1073741824 : i32
    %broadcast_in_dim3A_115 = vector.broadcast %jit3A_114 : i32 to vector<16xi32>
    %select_n3A_116 = arith.select %eq3A_113, %gather3A_111, %broadcast_in_dim3A_115 : vector<16xi1>, vector<16xi32>
    %reduce_min3A_117 = arith.constant true
    %reduce_min3A_118 = vector.broadcast %reduce_min3A_117 : i1 to vector<16xi1>
    %reduce_min3A_119 = arith.constant -2147483648 : i32
    %reduce_min3A_120 = vector.broadcast %reduce_min3A_119 : i32 to vector<16xi32>
    %reduce_min3A_121 = arith.xori %select_n3A_116, %reduce_min3A_120 : vector<16xi32>
    %reduce_min3A_122 = tpu.scan <min>, %reduce_min3A_121 masked %reduce_min3A_118 : vector<16xi32>, vector<16xi1> -> vector<16xi32>
    %reduce_min3A_123 = arith.xori %reduce_min3A_122, %reduce_min3A_120 : vector<16xi32>
    %reduce_min3A_124 = vector.extract %reduce_min3A_123[15] : i32 from vector<16xi32>
    %eq3A_125 = arith.constant 3 : i32
    %eq3A_126 = vector.broadcast %eq3A_125 : i32 to vector<16xi32>
    %eq3A_127 = arith.cmpi eq, %iota3A, %eq3A_126 : vector<16xi32>
    %broadcast_in_dim3A_128 = vector.broadcast %reduce_min3A_124 : i32 to vector<16xi32>
    %select_n3A_129 = arith.select %eq3A_127, %broadcast_in_dim3A_128, %select_n3A_96 : vector<16xi1>, vector<16xi32>
    %swap3A = arith.constant 0 : index
    %swap3A_130 = tpu.vector_load %arg7[%swap3A] {strides = array<i32>} : memref<16xi32, #tpu.memory_space<vmem>>, vector<16xi32>,
    tpu.vector_store %arg7[%swap3A], %select_n3A_129 {strides = array<i32>} : memref<16xi32, #tpu.memory_space<vmem>>, vector<16xi32>,
    "tpu.region"() ({
      %run_scoped3A = tpu.sem_alloc : memref<!tpu.dma_semaphore, #tpu.memory_space<semaphore_mem>>
      %dma_start3A = arith.constant 0 : i32
      %dma_start3A_131 = tpu.memref_slice %arg4[%add3A, %dma_start3A] : memref<32x16xi32, #tpu.memory_space<hbm>> -> memref<1x16xi32, #tpu.memory_space<hbm>>
      %dma_start3A_132 = tpu.memref_squeeze %dma_start3A_131 : memref<1x16xi32, #tpu.memory_space<hbm>> -> memref<16xi32, #tpu.memory_space<hbm>>
      %dma_start3A_133 = arith.constant 0 : i32
      %dma_start3A_134 = tpu.memref_slice %arg4[%add3A, %dma_start3A_133] : memref<32x16xi32, #tpu.memory_space<hbm>> -> memref<1x16xi32, #tpu.memory_space<hbm>>
      %dma_start3A_135 = tpu.memref_squeeze %dma_start3A_134 : memref<1x16xi32, #tpu.memory_space<hbm>> -> memref<16xi32, #tpu.memory_space<hbm>>
      tpu.enqueue_dma source(%arg7 : memref<16xi32, #tpu.memory_space<vmem>>) target(%dma_start3A_135 : memref<16xi32, #tpu.memory_space<hbm>>) target_semaphore(%run_scoped3A : memref<!tpu.dma_semaphore, #tpu.memory_space<semaphore_mem>>)
      %dma_wait3A = arith.constant 0 : i32
      %dma_wait3A_136 = tpu.memref_slice %arg4[%add3A, %dma_wait3A] : memref<32x16xi32, #tpu.memory_space<hbm>> -> memref<1x16xi32, #tpu.memory_space<hbm>>
      %dma_wait3A_137 = tpu.memref_squeeze %dma_wait3A_136 : memref<1x16xi32, #tpu.memory_space<hbm>> -> memref<16xi32, #tpu.memory_space<hbm>>
      %dma_wait3A_138 = arith.constant 0 : i32
      %dma_wait3A_139 = tpu.memref_slice %arg4[%add3A, %dma_wait3A_138] : memref<32x16xi32, #tpu.memory_space<hbm>> -> memref<1x16xi32, #tpu.memory_space<hbm>>
      %dma_wait3A_140 = tpu.memref_squeeze %dma_wait3A_139 : memref<1x16xi32, #tpu.memory_space<hbm>> -> memref<16xi32, #tpu.memory_space<hbm>>
      tpu.wait_dma2 semaphore(%run_scoped3A : memref<!tpu.dma_semaphore, #tpu.memory_space<semaphore_mem>>) src(%arg7 : memref<16xi32, #tpu.memory_space<vmem>>) dst(%dma_wait3A_140 : memref<16xi32, #tpu.memory_space<hbm>>)
      tpu.yield
    }) : () -> ()
    return
  }
}

module attributes {stable_mosaic.version = 14 : i64} {
  func.func @_tc_shard_argmax(%arg0: i32, %arg1: memref<10000x128xf32, #tpu.memory_space<vmem>>, %arg2: memref<1x1x128xf32, #tpu.memory_space<vmem>>, %arg3: memref<1x1x128xi32, #tpu.memory_space<vmem>>) attributes {dimension_semantics = [#tpu.dimension_semantics<arbitrary>], iteration_bounds = array<i64: 10>, scalar_prefetch = 0 : i64, scratch_operands = 0 : i64, tpu.core_type = #tpu.core_type<tc>, window_params = [{transform_indices = @transform_0, window_bounds = array<i64: 10000, 128>}, {transform_indices = @transform_1, window_bounds = array<i64: 1, 1, 128>}, {transform_indices = @transform_2, window_bounds = array<i64: 1, 1, 128>}]} {
    %get3A = arith.constant 0 : index
    %get3A_0 = arith.constant 0 : index
    %get3A_1 = vector.load %arg1[%get3A, %get3A_0] : memref<10000x128xf32, #tpu.memory_space<vmem>>, vector<10000x128xf32>
    %reduce_max3A = arith.constant dense<0xFF800000> : vector<128xf32>
    %reduce_max3A_2 = vector.multi_reduction <maximumf>, %get3A_1, %reduce_max3A [0] : vector<10000x128xf32> to vector<128xf32>
    %broadcast_in_dim3A = vector.shape_cast %reduce_max3A_2 : vector<128xf32> to vector<1x128xf32>
    %iota3A = tpu.iota {dimensions = array<i32: 0>} : vector<10000x128xi32>
    %eq3A = vector.broadcast %broadcast_in_dim3A : vector<1x128xf32> to vector<10000x128xf32>
    %eq3A_3 = arith.cmpf oeq, %get3A_1, %eq3A : vector<10000x128xf32>
    %jit3A = arith.constant 1073741824 : i32
    %broadcast_in_dim3A_4 = vector.broadcast %jit3A : i32 to vector<10000x128xi32>
    %select_n3A = arith.select %eq3A_3, %iota3A, %broadcast_in_dim3A_4 : vector<10000x128xi1>, vector<10000x128xi32>
    %reduce_min3A = arith.constant dense<2147483647> : vector<128xi32>
    %reduce_min3A_5 = vector.multi_reduction <minsi>, %select_n3A, %reduce_min3A [0] : vector<10000x128xi32> to vector<128xi32>
    %broadcast_in_dim3A_6 = vector.shape_cast %reduce_min3A_5 : vector<128xi32> to vector<1x128xi32>
    %mul3A = arith.constant 10000 : i32
    %mul3A_7 = arith.muli %arg0, %mul3A : i32
    %add3A = vector.broadcast %mul3A_7 : i32 to vector<1x128xi32>
    %add3A_8 = arith.addi %broadcast_in_dim3A_6, %add3A : vector<1x128xi32>
    %reshape3A = vector.shape_cast %broadcast_in_dim3A : vector<1x128xf32> to vector<1x1x128xf32>
    %swap3A = arith.constant 0 : index
    %swap3A_9 = arith.constant 0 : index
    %swap3A_10 = arith.constant 0 : index
    %swap3A_11 = vector.load %arg2[%swap3A, %swap3A_9, %swap3A_10] : memref<1x1x128xf32, #tpu.memory_space<vmem>>, vector<1x1x128xf32>
    tpu.vector_store %arg2[%swap3A, %swap3A_9, %swap3A_10], %reshape3A {strides = array<i32>} : memref<1x1x128xf32, #tpu.memory_space<vmem>>, vector<1x1x128xf32>,
    %reshape3A_12 = vector.shape_cast %add3A_8 : vector<1x128xi32> to vector<1x1x128xi32>
    %swap3A_13 = arith.constant 0 : index
    %swap3A_14 = arith.constant 0 : index
    %swap3A_15 = arith.constant 0 : index
    %swap3A_16 = vector.load %arg3[%swap3A_13, %swap3A_14, %swap3A_15] : memref<1x1x128xi32, #tpu.memory_space<vmem>>, vector<1x1x128xi32>
    tpu.vector_store %arg3[%swap3A_13, %swap3A_14, %swap3A_15], %reshape3A_12 {strides = array<i32>} : memref<1x1x128xi32, #tpu.memory_space<vmem>>, vector<1x1x128xi32>,
    return
  }
  func.func @transform_0(%arg0: i32) -> (i32, i32) {
    %c0_i32 = arith.constant 0 : i32
    %c0_i32_0 = arith.constant 0 : i32
    return %arg0, %c0_i32 : i32, i32
  }
  func.func @transform_1(%arg0: i32) -> (i32, i32, i32) {
    %c0_i32 = arith.constant 0 : i32
    %c0_i32_0 = arith.constant 0 : i32
    %c0_i32_1 = arith.constant 0 : i32
    return %arg0, %c0_i32, %c0_i32_0 : i32, i32, i32
  }
  func.func @transform_2(%arg0: i32) -> (i32, i32, i32) {
    %c0_i32 = arith.constant 0 : i32
    %c0_i32_0 = arith.constant 0 : i32
    %c0_i32_1 = arith.constant 0 : i32
    return %arg0, %c0_i32, %c0_i32_0 : i32, i32, i32
  }
}

</mosaic_0001>

<sc_bundles>
// kernel: kernel.4.cloned.1.call-start
scs
__scs_entry_jumppad:
0x0: {  	(pc) =	sbr.rel $0x88, $3  }
0x1: {  	(tag) =	ssettag $0x0;
	lr =	simm.s32 $0x1  }
0x2: {  	[smem:$0x3FA0] =	sst lr;
	_ =	strace $0xD0000000  }
0x3: {  	_ = 	snop  }
0x4: {  	_ = 	snop  }
0x5: {  	_ = 	snop  }
0x6: {  	_ = 	snop  }
0x7: {  	_ = 	snop  }
__scs_overlays_trampoline_lowered:
0x8: {  	[smem:$0x3FAF] =	sst s0  }
0x9: {  	[smem:$0x3FB0] =	sst s1  }
0xa: {  	[smem:$0x3FB1] =	sst s2  }
0xb: {  	[smem:$0x3FB2] =	sst s3  }
0xc: {  	[smem:$0x3FB3] =	sst s4  }
0xd: {  	[smem:$0x3FB4] =	sst s5  }
0xe: {  	[smem:$0x3FB5] =	sst s6  }
0xf: {  	[smem:$0x3FB6] =	sst s7  }
0x10: {  	[smem:$0x3FB7] =	sst s8  }
0x11: {  	[smem:$0x3FB8] =	sst s9;
	s0 =	simm.s32 @!p0 $0x0  }
0x12: {  	s1 =	sld [smem:$0x3F9E];
	s0 =	simm.s32 @p0 $0x1  }
0x13: {  	[smem:$0x3FB9] =	sst s0;
	s0 =	simm.s32 @!p1 $0x0  }
0x14: {  	s2 =	sld [smem:$0x3F9D];
	s0 =	simm.s32 @p1 $0x1  }
0x15: {  	[smem:$0x3FBA] =	sst s0;
	s0 =	simm.s32 @!p2 $0x0  }
0x16: {  	s3 =	sld [smem:$0x3FDB];
	s0 =	simm.s32 @p2 $0x1  }
0x17: {  	s4 =	simm.s32 $0x1BF5;
	[smem:$0x3FBC] =	sst s0  }
0x18: {  	s0 =	sld [smem:$0x3F9F];
	_ =	swait.ge [sflag:s4], $0x0  }
0x19: {  	s7 =	sld [smem:$0x3FA0]  }
0x1a: {  	s8 =	sadd.s32 $0xFFFFE003, lr  }
0x1b: {  	s9 =	sadd.s32 $0xFFFFFEF7, lr;
	s5 =	simm.s32 $0xFFFFFFFF;
	p2 =	slt.u32 s8, $0xFFFFF086  }
0x1c: {  	p1 =	slt.u32 s9, $0xF7A;
	s5 =	simm.s32 @!p2 $0x0  }
0x1d: {  	s5 =	simm.s32 @p1 $0x1;
	p0 =	seq.s32 s7, s2  }
0x1e: {  	s7 =	smul.u32 @!p0 $0xF7A, s2;
	p2 =	seq.s32 @!p0 s5, $0x0  }
0x1f: {  	s9 =	smul.u32 $0xF7A, s1;
	s8 =	simm.s32 @!p0 $0x1BF5;
	p2 =	por !p2, p0  }
0x20: {  	[sflag:s8] =	ssyncset.s32 @!p0 $0xFFFFF086;
	s6 =	sadd.s32 @!p0 s3, s7;
	s7 =	simm.s32 @!p0 $0x108  }
0x21: {  	s3 =	sadd.s32 s3, s9;
	s6 =	sadd.s32 @!p0 $0x88, s6;
	s7 =	simm.s32 @p2 $0x1082  }
0x22: {  	[simem:s7], [sflag:s8] =	dma.local @!p0 [hbm:s6], $0xF7A  }
0x23: {  	s9 =	sor.u32 $0xD0000000, s2;
	s6 =	simm.s32 $0x108;
	_ =	swait.ge @!p0 [sflag:s8], $0x0  }
0x24: {  	s3 =	sadd.s32 $0x88, s3;
	s6 =	simm.s32 @!p1 $0x1082;
	[sflag:s4] =	ssyncset.s32 $0xFFFFF086  }
0x25: {  	[simem:s6], [sflag:s4] =	dma.local [hbm:s3], $0xF7A  }
0x26: {  	[smem:$0x3FA0] =	sst s1;
	(tag) =	ssettag s2;
	_ =	strace s9  }
0x27: {  	s1 =	sld [smem:$0x3FB0]  }
0x28: {  	s2 =	sld [smem:$0x3FB1]  }
0x29: {  	s4 =	sld [smem:$0x3FB3]  }
0x2a: {  	p0 =	seq.s32 s5, $0x0;
	s5 =	sld [smem:$0x3FB4]  }
0x2b: {  	s6 =	sld [smem:$0x3FB5]  }
0x2c: {  	s7 =	sld [smem:$0x3FB6]  }
0x2d: {  	s3 =	simm.s32 $0x108;
	s8 =	sld [smem:$0x3FB7]  }
0x2e: {  	s3 =	simm.s32 @!p0 $0x1082;
	s9 =	sld [smem:$0x3FB8]  }
0x2f: {  	lr =	sadd.s32 s0, s3;
	s0 =	sld [smem:$0x3FAF]  }
0x30: {  	s3 =	sld [smem:$0x3FB2]  }
0x31: {  	[smem:$0x3FBB] =	sst s10  }
0x32: {  	s10 =	sld [smem:$0x3FB9];
	_ =	sdelay $0x3  }
0x33: {  	p0 =	seq.s32 s10, $0x1;
	s10 =	sld [smem:$0x3FBB];
	_ =	sdelay $0x3  }
0x34: {  	[smem:$0x3FBB] =	sst s10  }
0x35: {  	s10 =	sld [smem:$0x3FBA];
	_ =	sdelay $0x3  }
0x36: {  	p1 =	seq.s32 s10, $0x1;
	s10 =	sld [smem:$0x3FBB];
	_ =	sdelay $0x3  }
0x37: {  	[smem:$0x3FBB] =	sst s10  }
0x38: {  	s10 =	sld [smem:$0x3FBC]  }
0x39: {  	_ = 	snop;
	(pc) =	sbr.ind lr, $3  }
0x3a: {  	_ = 	snop  }
0x3b: {  	_ = 	snop  }
0x3c: {  	p2 =	seq.s32 s10, $0x1;
	s10 =	sld [smem:$0x3FBB]  }
0x3d: {  	_ =	shalt  }
0x3e: {  	_ =	shalt  }
0x3f: {  	_ =	shalt  }
0x40: {  	_ =	shalt  }
0x41: {  	_ =	shalt  }
0x42: {  	_ =	shalt  }
0x43: {  	_ =	shalt  }
0x44: {  	_ =	shalt  }
0x45: {  	_ =	shalt  }
0x46: {  	_ =	shalt  }
0x47: {  	_ =	shalt  }
0x48: {  	_ =	shalt  }
0x49: {  	_ =	shalt  }
0x4a: {  	_ =	shalt  }
0x4b: {  	_ =	shalt  }
0x4c: {  	_ =	shalt  }
0x4d: {  	_ =	shalt  }
0x4e: {  	_ =	shalt  }
0x4f: {  	_ =	shalt  }
0x50: {  	_ =	shalt  }
0x51: {  	_ =	shalt  }
0x52: {  	_ =	shalt  }
0x53: {  	_ =	shalt  }
0x54: {  	_ =	shalt  }
0x55: {  	_ =	shalt  }
0x56: {  	_ =	shalt  }
0x57: {  	_ =	shalt  }
0x58: {  	_ =	shalt  }
0x59: {  	_ =	shalt  }
0x5a: {  	_ =	shalt  }
0x5b: {  	_ =	shalt  }
0x5c: {  	_ =	shalt  }
0x5d: {  	_ =	shalt  }
0x5e: {  	_ =	shalt  }
0x5f: {  	_ =	shalt  }
0x60: {  	_ =	shalt  }
0x61: {  	_ =	shalt  }
0x62: {  	_ =	shalt  }
0x63: {  	_ =	shalt  }
0x64: {  	_ =	shalt  }
0x65: {  	_ =	shalt  }
0x66: {  	_ =	shalt  }
0x67: {  	_ =	shalt  }
0x68: {  	_ =	shalt  }
0x69: {  	_ =	shalt  }
0x6a: {  	_ =	shalt  }
0x6b: {  	_ =	shalt  }
0x6c: {  	_ =	shalt  }
0x6d: {  	_ =	shalt  }
0x6e: {  	_ =	shalt  }
0x6f: {  	_ =	shalt  }
0x70: {  	_ =	shalt  }
0x71: {  	_ =	shalt  }
0x72: {  	_ =	shalt  }
0x73: {  	_ =	shalt  }
0x74: {  	_ =	shalt  }
0x75: {  	_ =	shalt  }
0x76: {  	_ =	shalt  }
0x77: {  	_ =	shalt  }
0x78: {  	_ =	shalt  }
0x79: {  	_ =	shalt  }
0x7a: {  	_ =	shalt  }
0x7b: {  	_ =	shalt  }
0x7c: {  	_ =	shalt  }
0x7d: {  	_ =	shalt  }
0x7e: {  	_ =	shalt  }
0x7f: {  	_ =	shalt  }
0x80: {  	_ =	shalt  }
0x81: {  	_ =	shalt  }
0x82: {  	_ =	shalt  }
0x83: {  	_ =	shalt  }
0x84: {  	_ =	shalt  }
0x85: {  	_ =	shalt  }
0x86: {  	_ =	shalt  }
0x87: {  	_ =	shalt  }
.Lfunc_end0:
.L_simem_size_0:
called_computation_lowered:
.L_overlay_start_0:
0x88: {  	s2 =	sld [smem:$0x3FD9]  }
0x89: {  	s3 =	sld [smem:$0x3FFE];
	_ =	sdelay $0x1  }
0x8a: {  	s1 =	srdreg.scid  }
0x8b: {  	s0 =	sand.u32 $0x1, s1  }
0x8c: {  	s16 =	sshll.u32 s0, $0xA;
	s2 =	sadd.s32 s3, s2  }
0x8d: {  	s2 =	sadd.s32 s2, s16  }
0x8e: {  	[smem:$0x3FC7] =	sst s2  }
0x8f: {  	_ = 	snop  }
0x90: {  	(tm) =	ssettm $0x1  }
0x91: {  	s17 =	sld [smem:$0x3FFB];
	_ =	sdelay $0x3  }
0x92: {  	_ =	strace s17  }
0x93: {  	s2 =	sld [smem:$0x3FFC];
	_ =	sdelay $0x3  }
0x94: {  	_ =	strace s2  }
0x95: {  	s2 =	sld [smem:$0x3FFD];
	_ =	sdelay $0x3  }
0x96: {  	_ =	strace s2  }
0x97: {  	_ =	strace $0x8FFFFFFF  }
0x98: {  	s18 =	sld [smem:$0x3FDB];
	_ =	sdelay $0x1  }
0x99: {  	s19 =	simm.s32 $_scs_section_size  }
0x9a: {  	s4 =	simm.s32 $_size__tile_overlayer_lowered;
	s5 =	simm.s32 $_tile_overlayer_lowered  }
0x9b: {  	s22 =	simm.s32 $0x1BFF;
	s21 =	sshll.u32 s5, $0x1;
	s2 =	sadd.s32 s19, s18  }
0x9c: {  	s6 =	simm.s32 $0x0;
	s20 =	sshll.u32 s4, $0x1;
	s4 =	sadd.s32 s21, s2  }
0x9d: {  	[timem:s6], [sflag:s22] =	dma.local [hbm:s4], s20  }
0x9e: {  	_ =	swait.ge [sflag:s22], s20  }
0x9f: {  	s3 =	ssub.s32 $0x0, s20;
	[sflag:s22] =	ssyncset.done $0x0  }
0xa0: {  	[sflag:s22] =	ssyncadd.s32 s3;
	_ =	sdelay $0x1  }
0xa1: {  	s23 =	simm.s32 $0x1B8B  }
0xa2: {  	_ =	swait.ge [sflag:s23], $0x1  }
0xa3: {  	[sflag:s23] =	ssyncset.done $0x0  }
0xa4: {  	s25 =	simm.s32 $0x1B8E;
	s24 =	sld [smem:$0x3FFE];
	[sflag:s23] =	ssyncadd.s32 $0xFFFFFFFF  }
0xa5: {  	s26 =	simm.s32 $execute0_lowered;
	[smem:$0x3FD2] =	sst s25  }
0xa6: {  	s4 =	sshll.u32 s26, $0x1;
	_ =	strace $0x80000046;
	[dreg:$0x1] =	wrdreg $0xFFFFFFFF  }
0xa7: {  	s28 =	simm.s32 $_size_execute0_lowered;
	s2 =	sadd.s32 s2, s4;
	[dreg:$0x0] =	wrdreg $0x0  }
0xa8: {  	s4 =	sshll.u32 s28, $0x1;
	[dreg:$0x2] =	wrdreg s2  }
0xa9: {  	[dreg:$0x3] =	wrdreg s4  }
0xaa: {  	[dreg:$0x4] =	wrdreg $0xC0  }
0xab: {  	_ =	task [dreg:s6], $0x5FFFF  }
0xac: {  	[dreg:$0x1] =	wrdreg $0xFFFFFFFF  }
0xad: {  	[dreg:$0x0] =	wrdreg $0x60  }
0xae: {  	[dreg:$0x2] =	wrdreg s24  }
0xaf: {  	[dreg:$0x3] =	wrdreg $0x9  }
0xb0: {  	_ =	task.clear_ibuf [dreg:s6], $0x4FFFF;
	_ =	strace $0x90000046  }
0xb1: {  	s29 =	simm.s32 $0x9;
	_ =	strace $0x80000048  }
0xb2: {  	_ =	swait.ge [sflag:s29], $0x1  }
0xb3: {  	[sflag:s29] =	ssyncadd.s32 $0xFFFFFFFF  }
0xb4: {  	_ =	strace $0x90000048  }
0xb5: {  	_ =	sfence  }
0xb6: {  	s30 =	sld [smem:$0x0];
	_ =	sdelay $0x2  }
0xb7: {  	s31 =	sshll.u32 s1, $0xD;
	s1 =	sshrl.u32 s1, $0x2  }
0xb8: {  	s3 =	sand.u32 $0x4000, s31;
	s1 =	sadd.s32 s1, s30  }
0xb9: {  	s0 =	sor.u32 s3, s0;
	s1 =	sshll.u32 s1, $0x11  }
0xba: {  	s0 =	sor.u32 s1, s0  }
0xbb: {  	s0 =	sadd.s32 $0x8F2B, s0  }
0xbc: {  	[sflag:s0] =	ssyncadd.remote.s32 $0x1  }
0xbd: {  	_ =	sfence.sel $0xFFFF  }
0xbe: {  	[dreg:$0x0] =	wrdreg $0xFFFFFFFF;
	(pc) =	sbr.abs _section_cstart, $3  }
0xbf: {  	[dreg:$0x1] =	wrdreg $0xFFFFFFFF  }
0xc0: {  	_ =	task.clear_ibuf [dreg:s6], $0x2FFFF;
	_ =	strace $0x9FFFFFFF  }
0xc1: {  	(tm) =	ssettm $0x7FFFFFFF  }
tec
execute0_lowered:
.L_overlay_start_1:
0x0: {  	(tag) =	ssettag $0x1  }
0x1: {  	v0 =	vimm.s32 $0x480;
	vm0 =	vcmask $0x300  }
0x2: {  	vm1 =	vcmask $0x704;
	v0 =	vsel vm0, $0x0, v0  }
0x3: {  	vm2 =	vcmask $0xB08;
	v0 =	vsel vm1, $0x80, v0  }
0x4: {  	s1 =	rddreg [dreg:$0x0];
	vm3 =	vcmask $0xF0C;
	v0 =	vsel vm2, $0x100, v0  }
0x5: {  	s0 =	rddreg [dreg:$0x1];
	s2 =	simm.s32 $0x0;
	vm4 =	vcmask $0x1310;
	s4 =	srdreg.scid;
	v0 =	vsel vm3, $0x180, v0  }
0x6: {  	s3 =	stileid.u32;
	[smem:$0x7FF] =	sst s2;
	s7 =	sand.u32 $0x1, s4;
	v0 =	vsel vm4, $0x200, v0;
	vm4 =	vcmask $0x1714  }
0x7: {  	s5 =	sshll.u32 s3, $0x1;
	s4 =	simm.s32 $0x1;
	_ =	strace $0x80000047;
	v0 =	vsel vm4, $0x280, v0;
	vm4 =	vcmask $0x1B18  }
0x8: {  	[tilespmem:s2], [sflag:$0x1] =	stream.linear.gather [hbm4b:s1+s2], $0x500, $0x38;
	v0 =	vsel vm4, $0x300, v0;
	vm4 =	vcmask $0x1F1C;
	[tilespmem:$0xA80] =	vst v63  }
0x9: {  	s8 =	sor.u32 s7, s5;
	_ =	swait.ge [sflag:s4], $0x500;
	v0 =	vsel vm4, $0x380, v0;
	vm4 =	vcmask $0x2320  }
0xa: {  	s6 =	simm.s32 $0x500;
	s9 =	sshll.u32 s8, $0x2;
	[sflag:s4] =	ssyncset.done $0x0;
	v3 =	vsel vm4, $0x400, v0  }
0xb: {  	s5 =	sadd.s32 $0x200, s1;
	s10 =	sor.u32 $0x1, s9;
	[sflag:s4] =	ssyncadd.s32 $0xFFFFFB00;
	v0 =	vor.u32 s9, v3  }
0xc: {  	[tilespmem:s6], [sflag:$0x1] =	stream.linear.gather [hbm4b:s5+s2], $0x500, $0x38;
	[tilespmem:$0xA80] =	vst v63  }
0xd: {  	_ =	swait.ge [sflag:s4], $0x500;
	v1 =	vor.u32 s10, v3;
	s9 =	sor.u32 $0x2, s9  }
0xe: {  	s25 =	sshllo.u32 s8, $0x2;
	[sflag:s4] =	ssyncset.done $0x0;
	v2 =	vor.u32 s9, v3  }
0xf: {  	[sflag:s4] =	ssyncadd.s32 $0xFFFFFB00;
	v3 =	vor.u32 s25, v3  }
0x10: {  	v4 =	vld.idx.msk [tilespmem:v0+s2+$0x0], $0xffff;
	_ =	sdelay $0x1  }
0x11: {  	v5 =	vld.idx.msk [tilespmem:v1+s2+$0x0], $0xffff  }
0x12: {  	v6 =	vld.idx.msk [tilespmem:v2+s2+$0x0], $0xffff  }
0x13: {  	v7 =	vld.idx.msk [tilespmem:v3+s2+$0x0], $0xffff  }
0x14: {  	(xrf0) =	vmax.scan.msk.f32 $0xffff, v4;
	_ =	sdelay $0x1  }
0x15: {  	(xrf0) =	vmax.scan.msk.f32 $0xffff, v5  }
0x16: {  	(xrf0) =	vmax.scan.msk.f32 $0xffff, v6  }
0x17: {  	v8 =	vld.idx.msk [tilespmem:v0+s6+$0x0], $0xffff;
	(xrf0) =	vmax.scan.msk.f32 $0xffff, v7;
	_ =	sdelay $0x1  }
0x18: {  	v9 =	vld.idx.msk [tilespmem:v1+s6+$0x0], $0xffff;
	v10, _, _ =	vpop (xrf0)  }
0x19: {  	v11 =	vld.idx.msk [tilespmem:v2+s6+$0x0], $0xffff;
	v10 =	vbroadcast v10, $0xF  }
0x1a: {  	v12 =	vld.idx.msk [tilespmem:v3+s6+$0x0], $0xffff;
	v13, _, _ =	vpop (xrf0)  }
0x1b: {  	v59 =	vbroadcast v13, $0xF;
	v60, _, _ =	vpop (xrf0);
	vm4 =	veq.f32 v4, v10;
	v4 =	vxor.u32 $0x80000000, v8  }
0x1c: {  	v10 =	vbroadcast v60, $0xF;
	v61, _, _ =	vpop (xrf0);
	v4 =	vnsel vm4, $0xC0000000, v4  }
0x1d: {  	vm4 =	veq.f32 v5, v59;
	v5 =	vxor.u32 $0x80000000, v9;
	v62 =	vbroadcast v61, $0xF;
	(xrf0) =	vmin.scan.msk.u32 $0xffff, v4  }
0x1e: {  	v4 =	vnsel vm4, $0xC0000000, v5;
	vm4 =	veq.f32 v6, v10;
	v5 =	vxor.u32 $0x80000000, v11  }
0x1f: {  	v63 =	vxor.u32 $0x80000000, v12;
	v5 =	vnsel vm4, $0xC0000000, v5;
	vm4 =	veq.f32 v7, v62;
	(xrf0) =	vmin.scan.msk.u32 $0xffff, v4  }
0x20: {  	v4 =	vnsel vm4, $0xC0000000, v63;
	(xrf0) =	vmin.scan.msk.u32 $0xffff, v5;
	_ =	sdelay $0x1  }
0x21: {  	(xrf0) =	vmin.scan.msk.u32 $0xffff, v4  }
0x22: {  	v4, _, _ =	vpop (xrf0)  }
0x23: {  	(v2sf) =	vpush v4, $0xF  }
0x24: {  	v4, _, _ =	vpop (xrf0)  }
0x25: {  	(v2sf) =	vpush v4, $0xF;
	v4, _, _ =	vpop (xrf0)  }
0x26: {  	(v2sf) =	vpush v4, $0xF  }
0x27: {  	v4, _, _ =	vpop (xrf0)  }
0x28: {  	(v2sf) =	vpush v4, $0xF;
	_ =	sdelay $0x9  }
0x29: {  	s26 =	spop (v2sf)  }
0x2a: {  	s9 =	sxor.u32 $0x80000000, s26  }
0x2b: {  	s7 =	ssub.s32 $0x2, s7;
	s28 =	spop (v2sf);
	v4 =	vmov s9  }
0x2c: {  	s11 =	sshrl.u32 s7, $0x1;
	s9 =	sxor.u32 $0x80000000, s28;
	s29 =	spop (v2sf);
	v4 =	vnsel vm0, $0x0, v4  }
0x2d: {  	s31 =	ssub.s32 s7, s11;
	s10 =	sxor.u32 $0x80000000, s29;
	v4 =	vsel vm1, s9, v4  }
0x2e: {  	s30 =	spop (v2sf);
	v4 =	vsel vm2, s10, v4;
	s10 =	smax.u32 s31, $0x1  }
0x2f: {  	s8 =	sshll.u32 s8, $0x4;
	s9 =	sxor.u32 $0x80000000, s30;
	p0 =	sne.s32 s10, $0x1  }
.Ltmp0:
0x30: {  	s8 =	sadd.s32 s8, s1;
	v4 =	vsel vm3, s9, v4;
	(pc) =	sbr.rel @!p0 .LBB2_2-.Ltmp0, $4  }
0x31: {  	s7 =	sadd.s32 $0x400, s8;
	s8 =	simm.s32 $0x2;
	s9 =	simm.s32 $0xA00;
	[tilespmem:$0xA00] =	vst v4  }
0x32: {  	[hbm4b:s7+s2] =	stream.linear.scatter [tilespmem:s9], [sflag:$0x2], $0x80, $0x38;
	[tilespmem:$0xA80] =	vst v63  }
0x33: {  	_ =	swait.ge [sflag:s8], $0x80  }
0x34: {  	s10 =	sadd.s32 $0xFFFFFFFF, s10;
	[sflag:s8] =	ssyncset.done $0x0  }
.LBB2_1:
0x35: {  	p0 =	sne.s32 s10, $0x1;
	s10 =	sadd.s32 $0xFFFFFFFF, s10;
	[sflag:s8] =	ssyncadd.s32 $0xFFFFFF80  }
0x36: {  	[tilespmem:s2], [sflag:$0x1] =	stream.linear.gather [hbm4b:s1+s2], $0x500, $0x38;
	[tilespmem:$0xA80] =	vst v63  }
0x37: {  	_ =	swait.ge [sflag:s4], $0x500  }
0x38: {  	[sflag:s4] =	ssyncset.done $0x0  }
0x39: {  	[sflag:s4] =	ssyncadd.s32 $0xFFFFFB00  }
0x3a: {  	[tilespmem:s6], [sflag:$0x1] =	stream.linear.gather [hbm4b:s5+s2], $0x500, $0x38;
	[tilespmem:$0xA80] =	vst v63  }
0x3b: {  	_ =	swait.ge [sflag:s4], $0x500  }
0x3c: {  	[sflag:s4] =	ssyncset.done $0x0  }
0x3d: {  	[sflag:s4] =	ssyncadd.s32 $0xFFFFFB00  }
0x3e: {  	v4 =	vld.idx.msk [tilespmem:v0+s2+$0x0], $0xffff;
	_ =	sdelay $0x1  }
0x3f: {  	v5 =	vld.idx.msk [tilespmem:v1+s2+$0x0], $0xffff  }
0x40: {  	v6 =	vld.idx.msk [tilespmem:v2+s2+$0x0], $0xffff  }
0x41: {  	v7 =	vld.idx.msk [tilespmem:v3+s2+$0x0], $0xffff;
	_ =	sdelay $0x1  }
0x42: {  	(xrf0) =	vmax.scan.msk.f32 $0xffff, v4;
	_ =	sdelay $0x1  }
0x43: {  	(xrf0) =	vmax.scan.msk.f32 $0xffff, v5  }
0x44: {  	v8 =	vld.idx.msk [tilespmem:v0+s6+$0x0], $0xffff;
	(xrf0) =	vmax.scan.msk.f32 $0xffff, v6  }
0x45: {  	(xrf0) =	vmax.scan.msk.f32 $0xffff, v7  }
0x46: {  	v9 =	vld.idx.msk [tilespmem:v1+s6+$0x0], $0xffff  }
0x47: {  	v10 =	vld.idx.msk [tilespmem:v2+s6+$0x0], $0xffff;
	v11, _, _ =	vpop (xrf0)  }
0x48: {  	v14 =	vbroadcast v11, $0xF;
	v12 =	vld.idx.msk [tilespmem:v3+s6+$0x0], $0xffff  }
0x49: {  	v13, _, _ =	vpop (xrf0)  }
0x4a: {  	vm4 =	veq.f32 v4, v14;
	v4 =	vxor.u32 $0x80000000, v8;
	v8 =	vbroadcast v13, $0xF;
	v11, _, _ =	vpop (xrf0)  }
0x4b: {  	v4 =	vnsel vm4, $0xC0000000, v4;
	v11 =	vbroadcast v11, $0xF;
	v13, _, _ =	vpop (xrf0)  }
0x4c: {  	vm4 =	veq.f32 v5, v8;
	v5 =	vxor.u32 $0x80000000, v9;
	v8 =	vbroadcast v13, $0xF;
	(xrf0) =	vmin.scan.msk.u32 $0xffff, v4  }
0x4d: {  	v4 =	vnsel vm4, $0xC0000000, v5;
	vm4 =	veq.f32 v6, v11;
	v5 =	vxor.u32 $0x80000000, v10  }
0x4e: {  	v6 =	vxor.u32 $0x80000000, v12;
	v5 =	vnsel vm4, $0xC0000000, v5;
	vm4 =	veq.f32 v7, v8;
	(xrf0) =	vmin.scan.msk.u32 $0xffff, v4  }
0x4f: {  	v4 =	vnsel vm4, $0xC0000000, v6;
	(xrf0) =	vmin.scan.msk.u32 $0xffff, v5  }
0x50: {  	(xrf0) =	vmin.scan.msk.u32 $0xffff, v4;
	_ =	sdelay $0x1  }
0x51: {  	v4, _, _ =	vpop (xrf0)  }
0x52: {  	(v2sf) =	vpush v4, $0xF  }
0x53: {  	v4, _, _ =	vpop (xrf0)  }
0x54: {  	(v2sf) =	vpush v4, $0xF;
	v4, _, _ =	vpop (xrf0)  }
0x55: {  	(v2sf) =	vpush v4, $0xF;
	v4, _, _ =	vpop (xrf0)  }
0x56: {  	(v2sf) =	vpush v4, $0xF;
	_ =	sdelay $0xa  }
0x57: {  	s11 =	spop (v2sf)  }
0x58: {  	s11 =	sxor.u32 $0x80000000, s11  }
0x59: {  	v4 =	vmov s11;
	s11 =	spop (v2sf)  }
0x5a: {  	s11 =	sxor.u32 $0x80000000, s11;
	v4 =	vnsel vm0, $0x0, v4;
	s12 =	spop (v2sf)  }
0x5b: {  	s12 =	sxor.u32 $0x80000000, s12;
	v4 =	vsel vm1, s11, v4;
	s11 =	spop (v2sf)  }
0x5c: {  	s11 =	sxor.u32 $0x80000000, s11;
	v4 =	vsel vm2, s12, v4  }
.Ltmp1:
0x5d: {  	v4 =	vsel vm3, s11, v4;
	(pc) =	sbr.rel @p0 .LBB2_1-.Ltmp1, $4  }
0x5e: {  	[tilespmem:$0xA00] =	vst v4  }
0x5f: {  	[hbm4b:s7+s2] =	stream.linear.scatter [tilespmem:s9], [sflag:$0x2], $0x80, $0x38;
	[tilespmem:$0xA80] =	vst v63  }
0x60: {  	_ =	swait.ge [sflag:s8], $0x80  }
0x61: {  	[sflag:s8] =	ssyncset.done $0x0  }
.LBB2_2:
0x62: {  	[sflag:s8] =	ssyncadd.s32 $0xFFFFFF80  }
0x63: {  	_ =	sfence.sel $0x180000  }
0x64: {  	[bflag:$0x0] =	sbarrier.arrive $0xFFFF  }
0x65: {  	p0 =	sne.s32 s3, $0x0;
	_ =	strace $0x90000047  }
0x66: {  	s0 =	sadd.s32 @!p0 $0x100000, s0;
	[bflag:$0x2] =	sbarrier.arrive $0xFFFF  }
0x67: {  	[sflag:s0] =	ssyncadd.tile.s32 @!p0 $0x1;
	_ =	shalt  }
.Lfunc_end2:
_tile_overlayer_lowered:
.L_overlay_start_2:
0x68: {  	(tag) =	ssettag $0x2  }
0x69: {  	s0 =	rddreg [dreg:$0x0];
	s2 =	stileid.u32  }
0x6a: {  	s1 =	rddreg [dreg:$0x1];
	p0 =	sne.s32 s2, $0x0  }
0x6b: {  	s3 =	rddreg [dreg:$0x2];
	[bflag:$0x3] =	sbarrier.arrive $0xFFFF;
	s2 =	simm.s32 @!p0 $0x1C02  }
0x6c: {  	[timem:s3], [sflag:s2] =	dma.local @!p0 [hbm:s0], s1  }
0x6d: {  	s0 =	simm.s32 @!p0 $0x2  }
0x6e: {  	_ =	swait.ge @!p0 [sflag:s0], s1  }
0x6f: {  	s1 =	ssub.s32 @!p0 $0x0, s1;
	[sflag:s0] =	ssyncset.done @!p0 $0x0  }
0x70: {  	[sflag:s0] =	ssyncadd.s32 @!p0 s1  }
0x71: {  	[bflag:$0x3] =	sbarrier.arrive $0xFFFF  }
0x72: {  	_ =	shalt  }

</sc_bundles>
